<compile_context>
chip_gen: v7x
topology: tpu7x:2x2x1
jax: 0.10.2.dev20260603
libtpu: 0.0.44.dev20260713+nightly
codegen_flags: <defaults>
</compile_context>

<pallas_src>
import functools
import math

import jax
import jax.numpy as jnp
from jax import lax
from jax.experimental import pallas as pl
from jax.experimental.pallas import tpu as pltpu
from jax.experimental.pallas import tpu_sc as plsc

D_MODEL = 256
HALF = D_MODEL // 2
HEIGHT = 20.0
WIDTH = 32.0
N_SPECIAL = 3

_V_PAD = 648
_R = 8
_NC, _NS = 2, 16
_NW = _NC * _NS
_B = 1024 * 200
_BPW = _B // _NW
_CH = 128
_NCH = _BPW // _CH
_NB = 2


def _table_kernel(gauss_ref, tab_ref):
    v = lax.broadcasted_iota(jnp.int32, (_V_PAD, 1), 0)
    valid = v >= 2
    a = (v - N_SPECIAL).astype(jnp.float32)
    q = jnp.floor(a / WIDTH)
    xf = a - WIDTH * q
    cx = 2.0 * (xf / WIDTH) - 1.0
    cy = 2.0 * (q / HEIGHT) - 1.0
    cxb = cx.astype(jnp.bfloat16).astype(jnp.float32)
    cyb = cy.astype(jnp.bfloat16).astype(jnp.float32)
    g0 = gauss_ref[0:1, :].astype(jnp.bfloat16).astype(jnp.float32)
    g1 = gauss_ref[1:2, :].astype(jnp.bfloat16).astype(jnp.float32)
    t = cxb * g0 + cyb * g1
    f = (2.0 * math.pi) * (t - jnp.round(t))
    pe = jnp.concatenate([jnp.sin(f), jnp.cos(f)], axis=-1)
    tab_ref[...] = jnp.where(valid, pe, 0.0)


def _build_table(gauss):
    return pl.pallas_call(
        _table_kernel,
        grid=(_R,),
        in_specs=[pl.BlockSpec((2, HALF), lambda i: (0, 0))],
        out_specs=pl.BlockSpec((_V_PAD, D_MODEL), lambda i: (i, 0)),
        out_shape=jax.ShapeDtypeStruct((_R * _V_PAD, D_MODEL), jnp.float32),
    )(gauss)


@functools.lru_cache(maxsize=1)
def _make_sc_gather():
    mesh = plsc.VectorSubcoreMesh(core_axis_name="c", subcore_axis_name="s")

    @functools.partial(
        pl.kernel,
        out_type=jax.ShapeDtypeStruct((_B, D_MODEL), jnp.float32),
        mesh=mesh,
        scratch_types=[
            pltpu.VMEM((_NCH, _CH), jnp.int32),
        ]
        + [pltpu.VMEM((_CH, D_MODEL), jnp.float32)] * _NB
        + [pltpu.SemaphoreType.DMA] * (2 * _NB),
    )
    def _sc_gather(tab_hbm, idx_hbm, out_hbm, idx_v, *bufs_sems):
        bufs = bufs_sems[:_NB]
        gsems = bufs_sems[_NB : 2 * _NB]
        wsems = bufs_sems[2 * _NB :]
        wid = lax.axis_index("s") * _NC + lax.axis_index("c")
        base = wid * _BPW
        pltpu.sync_copy(idx_hbm.at[wid], idx_v)

        def _gather(i, b):
            pltpu.async_copy(tab_hbm.at[idx_v.at[i]], bufs[b], gsems[b])

        def _wait_gather(i, b):
            pltpu.make_async_copy(
                tab_hbm.at[idx_v.at[i]], bufs[b], gsems[b]
            ).wait()

        def _write(i, b):
            pltpu.async_copy(
                bufs[b], out_hbm.at[pl.ds(base + i * _CH, _CH)], wsems[b]
            )

        def _wait_write(i, b):
            pltpu.make_async_copy(
                bufs[b], out_hbm.at[pl.ds(base + i * _CH, _CH)], wsems[b]
            ).wait()

        _gather(0, 0)

        def pair(j, _):
            i0 = 2 * j
            for b in range(2):
                i = i0 + b

                @pl.when(i >= 1)
                def _():
                    _wait_write(i - 1, 1 - b)

                @pl.when(i + 1 < _NCH)
                def _():
                    _gather(i + 1, 1 - b)

                _wait_gather(i, b)
                _write(i, b)
            return 0

        lax.fori_loop(0, _NCH // 2, pair, 0)
        _wait_write(_NCH - 1, (_NCH - 1) % 2)

    return _sc_gather


@jax.jit
def kernel(tgt_seq, gauss):
    b, s = tgt_seq.shape
    table = _build_table(gauss)
    rep_off = (jnp.arange(_NW, dtype=jnp.int32) % _R) * _V_PAD
    idx = tgt_seq.reshape(_NW, _NCH, _CH) + rep_off[:, None, None]
    out = _make_sc_gather()(table, idx)
    return out.reshape(b, s, D_MODEL)

# --- scband reference (transcript-rebuilt; emitter-appended) ---
"""Pipeline reference for scband-position-embedding-random-6347961664012 (READ-ONLY COPY).

The authoritative reference and input builder live on the scoring server;
editing this copy changes nothing except your own understanding.
"""

import jax, jax.numpy as jnp
import numpy as np

D_MODEL = 256
HALF = D_MODEL // 2
HEIGHT = 20.0
WIDTH = 32.0
N_SPECIAL = 3
PAD_IDX = 0
EOS_IDX = 1
SCALE = 1


def setup_inputs(seed: int = 0) -> dict:
    key = jax.random.key(seed)
    k1, k2 = jax.random.split(key)
    # target action sequence; values 0 (pad) and 1 (eos) are masked out,
    # values >= N_SPECIAL map to grid actions in [0, H*W)
    tgt_seq = jax.random.randint(k1, (1024, 200), 0, 643, dtype=jnp.int32)
    # learned buffer: scale * randn((2, d_model//2)), scale = 1.0
    gauss = jax.random.normal(k2, (2, HALF), dtype=jnp.float32)
    return {"tgt_seq": tgt_seq, "gauss": gauss}


def _forward_pos(x, y, gauss):
    # normalize=True branch
    xn = x / WIDTH
    yn = y / HEIGHT
    coords = jnp.stack([xn, yn], axis=-1)
    coords = 2.0 * coords - 1.0
    coords = coords @ gauss
    coords = 2.0 * np.pi * coords
    return jnp.concatenate([jnp.sin(coords), jnp.cos(coords)], axis=-1)


def _forward(tgt_seq, gauss):
    mask = jnp.logical_and(tgt_seq != PAD_IDX, tgt_seq != EOS_IDX)
    actions = (tgt_seq - N_SPECIAL).astype(jnp.float32)
    # torch: actions // (width/scale) with float divisor -> floor div;
    #        actions %  (width/scale) -> python-style remainder
    y = jnp.floor(actions / (WIDTH / SCALE)) + (SCALE // 2)
    x = jnp.mod(actions, WIDTH / SCALE) + (SCALE // 2)
    pe_valid = _forward_pos(x, y, gauss)
    # pe = zeros; pe[mask] = pe_valid  <=> masked select (scatter-overwrite)
    pe = jnp.where(mask[..., None], pe_valid, jnp.zeros_like(pe_valid))
    return pe


def reference(tgt_seq, gauss):
    return _forward(tgt_seq, gauss)

if __name__ == "__main__":
    import jax
    _d = setup_inputs()
    print(jax.jit(kernel)(*tuple(_d.values())))

</pallas_src>

<mosaic_0001>
#map = affine_map<(d0, d1) -> (0, 0)>
#map1 = affine_map<(d0, d1) -> (0, 0, 0)>
module attributes {stable_mosaic.version = 14 : i64} {
  func.func @_sc_gather(%arg0: i32, %arg1: i32, %arg2: memref<5184x256xf32, #tpu.memory_space<hbm>>, %arg3: memref<32x50x128xi32, #tpu.memory_space<hbm>>, %arg4: memref<204800x256xf32, #tpu.memory_space<hbm>>, %arg5: memref<50x128xi32, #tpu.memory_space<vmem>>, %arg6: memref<128x256xf32, #tpu.memory_space<vmem>>, %arg7: memref<128x256xf32, #tpu.memory_space<vmem>>, %arg8: memref<!tpu.dma_semaphore, #tpu.memory_space<semaphore_mem>>, %arg9: memref<!tpu.dma_semaphore, #tpu.memory_space<semaphore_mem>>, %arg10: memref<!tpu.dma_semaphore, #tpu.memory_space<semaphore_mem>>, %arg11: memref<!tpu.dma_semaphore, #tpu.memory_space<semaphore_mem>>) attributes {dimension_semantics = [#tpu.dimension_semantics<core_parallel>, #tpu.dimension_semantics<subcore_parallel>], iteration_bounds = array<i64: 2, 16>, scalar_prefetch = 0 : i64, scratch_operands = 7 : i64, tpu.core_type = #tpu.core_type<sc_vector_subcore>, window_params = [{transform_indices = #map}, {transform_indices = #map1}, {transform_indices = #map}]} {
    %mul3A = arith.constant 2 : i32
    %mul3A_0 = arith.muli %arg1, %mul3A : i32
    %add3A = arith.addi %mul3A_0, %arg0 : i32
    %mul3A_1 = arith.constant 6400 : i32
    %mul3A_2 = arith.muli %add3A, %mul3A_1 : i32
    "tpu.region"() ({
      %run_scoped3A = tpu.sem_alloc : memref<!tpu.dma_semaphore, #tpu.memory_space<semaphore_mem>>
      %dma_start3A_20 = arith.constant 0 : i32
      %dma_start3A_21 = arith.constant 0 : i32
      %dma_start3A_22 = tpu.memref_slice %arg3[%add3A, %dma_start3A_20, %dma_start3A_21] : memref<32x50x128xi32, #tpu.memory_space<hbm>> -> memref<1x50x128xi32, #tpu.memory_space<hbm>>
      %dma_start3A_23 = tpu.memref_squeeze %dma_start3A_22 : memref<1x50x128xi32, #tpu.memory_space<hbm>> -> memref<50x128xi32, #tpu.memory_space<hbm>>
      %dma_start3A_24 = arith.constant 0 : i32
      %dma_start3A_25 = arith.constant 0 : i32
      %dma_start3A_26 = tpu.memref_slice %arg3[%add3A, %dma_start3A_24, %dma_start3A_25] : memref<32x50x128xi32, #tpu.memory_space<hbm>> -> memref<1x50x128xi32, #tpu.memory_space<hbm>>
      %dma_start3A_27 = tpu.memref_squeeze %dma_start3A_26 : memref<1x50x128xi32, #tpu.memory_space<hbm>> -> memref<50x128xi32, #tpu.memory_space<hbm>>
      tpu.enqueue_dma source(%dma_start3A_27 : memref<50x128xi32, #tpu.memory_space<hbm>>) target(%arg5 : memref<50x128xi32, #tpu.memory_space<vmem>>) target_semaphore(%run_scoped3A : memref<!tpu.dma_semaphore, #tpu.memory_space<semaphore_mem>>)
      %dma_wait3A_28 = arith.constant 0 : i32
      %dma_wait3A_29 = arith.constant 0 : i32
      %dma_wait3A_30 = tpu.memref_slice %arg3[%add3A, %dma_wait3A_28, %dma_wait3A_29] : memref<32x50x128xi32, #tpu.memory_space<hbm>> -> memref<1x50x128xi32, #tpu.memory_space<hbm>>
      %dma_wait3A_31 = tpu.memref_squeeze %dma_wait3A_30 : memref<1x50x128xi32, #tpu.memory_space<hbm>> -> memref<50x128xi32, #tpu.memory_space<hbm>>
      %dma_wait3A_32 = arith.constant 0 : i32
      %dma_wait3A_33 = arith.constant 0 : i32
      %dma_wait3A_34 = tpu.memref_slice %arg3[%add3A, %dma_wait3A_32, %dma_wait3A_33] : memref<32x50x128xi32, #tpu.memory_space<hbm>> -> memref<1x50x128xi32, #tpu.memory_space<hbm>>
      %dma_wait3A_35 = tpu.memref_squeeze %dma_wait3A_34 : memref<1x50x128xi32, #tpu.memory_space<hbm>> -> memref<50x128xi32, #tpu.memory_space<hbm>>
      tpu.wait_dma2 semaphore(%run_scoped3A : memref<!tpu.dma_semaphore, #tpu.memory_space<semaphore_mem>>) src(%dma_wait3A_35 : memref<50x128xi32, #tpu.memory_space<hbm>>) dst(%arg5 : memref<50x128xi32, #tpu.memory_space<vmem>>)
      tpu.yield
    }) : () -> ()
    %dma_start3A = arith.constant 0 : i32
    %dma_start3A_3 = arith.constant 0 : i32
    %dma_start3A_4 = tpu.memref_slice %arg5[%dma_start3A, %dma_start3A_3] : memref<50x128xi32, #tpu.memory_space<vmem>> -> memref<1x128xi32, #tpu.memory_space<vmem>>
    %dma_start3A_5 = tpu.memref_squeeze %dma_start3A_4 : memref<1x128xi32, #tpu.memory_space<vmem>> -> memref<128xi32, #tpu.memory_space<vmem>>
    %dma_start3A_6 = arith.constant 0 : i32
    %dma_start3A_7 = arith.constant 0 : i32
    %dma_start3A_8 = tpu.memref_slice %arg2[%dma_start3A_6, %dma_start3A_7] : memref<5184x256xf32, #tpu.memory_space<hbm>> -> memref<5184x256xf32, #tpu.memory_space<hbm>>
    tpu.enqueue_indirect_dma source(%dma_start3A_8 : memref<5184x256xf32, #tpu.memory_space<hbm>>) target(%arg6 : memref<128x256xf32, #tpu.memory_space<vmem>>) offsets(%dma_start3A_5 : memref<128xi32, #tpu.memory_space<vmem>>) semaphore(%arg8 : memref<!tpu.dma_semaphore, #tpu.memory_space<semaphore_mem>>)
    %scan3A = arith.constant 0 : i32
    %scan3A_9 = arith.constant 0 : i32
    %scan3A_10 = arith.constant 25 : i32
    %scan3A_11 = arith.addi %scan3A_9, %scan3A_10 : i32
    %scan3A_12 = arith.constant 1 : i32
    %scan3A_13 = scf.for %scan3A_20 = %scan3A_9 to %scan3A_11 step %scan3A_12 iter_args(%scan3A_21 = %scan3A) -> (i32)  : i32 {
      %mul3A_22 = arith.constant 2 : i32
      %mul3A_23 = arith.muli %mul3A_22, %scan3A_20 : i32
      %add3A_24 = arith.constant 0 : i32
      %add3A_25 = arith.addi %mul3A_23, %add3A_24 : i32
      %ge3A = arith.constant 1 : i32
      %ge3A_26 = arith.cmpi sge, %add3A_25, %ge3A : i32
      %convert_element_type3A = arith.extui %ge3A_26 : i1 to i32
      %cond3A = arith.constant 0 : i32
      %cond3A_27 = arith.cmpi ne, %convert_element_type3A, %cond3A : i32
      scf.if %cond3A_27 {
        %sub3A = arith.constant 1 : i32
        %sub3A_75 = arith.subi %add3A_25, %sub3A : i32
        %mul3A_76 = arith.constant 128 : i32
        %mul3A_77 = arith.muli %sub3A_75, %mul3A_76 : i32
        %add3A_78 = arith.addi %mul3A_2, %mul3A_77 : i32
        %dma_wait3A_79 = arith.constant 0 : i32
        %dma_wait3A_80 = tpu.memref_slice %arg4[%add3A_78, %dma_wait3A_79] : memref<204800x256xf32, #tpu.memory_space<hbm>> -> memref<128x256xf32, #tpu.memory_space<hbm>>
        %dma_wait3A_81 = arith.constant 0 : i32
        %dma_wait3A_82 = tpu.memref_slice %arg4[%add3A_78, %dma_wait3A_81] : memref<204800x256xf32, #tpu.memory_space<hbm>> -> memref<128x256xf32, #tpu.memory_space<hbm>>
        tpu.wait_dma2 semaphore(%arg11 : memref<!tpu.dma_semaphore, #tpu.memory_space<semaphore_mem>>) src(%arg7 : memref<128x256xf32, #tpu.memory_space<vmem>>) dst(%dma_wait3A_82 : memref<128x256xf32, #tpu.memory_space<hbm>>)
      } else {
      }
      %add3A_28 = arith.constant 1 : i32
      %add3A_29 = arith.addi %add3A_25, %add3A_28 : i32
      %lt3A = arith.constant 50 : i32
      %lt3A_30 = arith.cmpi slt, %add3A_29, %lt3A : i32
      %convert_element_type3A_31 = arith.extui %lt3A_30 : i1 to i32
      %cond3A_32 = arith.constant 0 : i32
      %cond3A_33 = arith.cmpi ne, %convert_element_type3A_31, %cond3A_32 : i32
      scf.if %cond3A_33 {
        %add3A_75 = arith.constant 1 : i32
        %add3A_76 = arith.addi %add3A_25, %add3A_75 : i32
        %dma_start3A_77 = arith.constant 0 : i32
        %dma_start3A_78 = tpu.memref_slice %arg5[%add3A_76, %dma_start3A_77] : memref<50x128xi32, #tpu.memory_space<vmem>> -> memref<1x128xi32, #tpu.memory_space<vmem>>
        %dma_start3A_79 = tpu.memref_squeeze %dma_start3A_78 : memref<1x128xi32, #tpu.memory_space<vmem>> -> memref<128xi32, #tpu.memory_space<vmem>>
        %dma_start3A_80 = arith.constant 0 : i32
        %dma_start3A_81 = arith.constant 0 : i32
        %dma_start3A_82 = tpu.memref_slice %arg2[%dma_start3A_80, %dma_start3A_81] : memref<5184x256xf32, #tpu.memory_space<hbm>> -> memref<5184x256xf32, #tpu.memory_space<hbm>>
        tpu.enqueue_indirect_dma source(%dma_start3A_82 : memref<5184x256xf32, #tpu.memory_space<hbm>>) target(%arg7 : memref<128x256xf32, #tpu.memory_space<vmem>>) offsets(%dma_start3A_79 : memref<128xi32, #tpu.memory_space<vmem>>) semaphore(%arg9 : memref<!tpu.dma_semaphore, #tpu.memory_space<semaphore_mem>>)
      } else {
      }
      %dma_wait3A_34 = arith.constant 0 : i32
      %dma_wait3A_35 = tpu.memref_slice %arg5[%add3A_25, %dma_wait3A_34] : memref<50x128xi32, #tpu.memory_space<vmem>> -> memref<1x128xi32, #tpu.memory_space<vmem>>
      %dma_wait3A_36 = tpu.memref_squeeze %dma_wait3A_35 : memref<1x128xi32, #tpu.memory_space<vmem>> -> memref<128xi32, #tpu.memory_space<vmem>>
      %dma_wait3A_37 = arith.constant 0 : i32
      %dma_wait3A_38 = arith.constant 0 : i32
      %dma_wait3A_39 = tpu.memref_slice %arg2[%dma_wait3A_37, %dma_wait3A_38] : memref<5184x256xf32, #tpu.memory_space<hbm>> -> memref<5184x256xf32, #tpu.memory_space<hbm>>
      tpu.wait_indirect_dma semaphore(%arg8 : memref<!tpu.dma_semaphore, #tpu.memory_space<semaphore_mem>>) src(%dma_wait3A_39 : memref<5184x256xf32, #tpu.memory_space<hbm>>) dst(%arg6 : memref<128x256xf32, #tpu.memory_space<vmem>>)
      %mul3A_40 = arith.constant 128 : i32
      %mul3A_41 = arith.muli %add3A_25, %mul3A_40 : i32
      %add3A_42 = arith.addi %mul3A_2, %mul3A_41 : i32
      %dma_start3A_43 = arith.constant 0 : i32
      %dma_start3A_44 = tpu.memref_slice %arg4[%add3A_42, %dma_start3A_43] : memref<204800x256xf32, #tpu.memory_space<hbm>> -> memref<128x256xf32, #tpu.memory_space<hbm>>
      %dma_start3A_45 = arith.constant 0 : i32
      %dma_start3A_46 = tpu.memref_slice %arg4[%add3A_42, %dma_start3A_45] : memref<204800x256xf32, #tpu.memory_space<hbm>> -> memref<128x256xf32, #tpu.memory_space<hbm>>
      tpu.enqueue_dma source(%arg6 : memref<128x256xf32, #tpu.memory_space<vmem>>) target(%dma_start3A_46 : memref<128x256xf32, #tpu.memory_space<hbm>>) target_semaphore(%arg10 : memref<!tpu.dma_semaphore, #tpu.memory_space<semaphore_mem>>)
      %add3A_47 = arith.constant 1 : i32
      %add3A_48 = arith.addi %mul3A_23, %add3A_47 : i32
      %ge3A_49 = arith.constant 1 : i32
      %ge3A_50 = arith.cmpi sge, %add3A_48, %ge3A_49 : i32
      %convert_element_type3A_51 = arith.extui %ge3A_50 : i1 to i32
      %cond3A_52 = arith.constant 0 : i32
      %cond3A_53 = arith.cmpi ne, %convert_element_type3A_51, %cond3A_52 : i32
      scf.if %cond3A_53 {
        %sub3A = arith.constant 1 : i32
        %sub3A_75 = arith.subi %add3A_48, %sub3A : i32
        %mul3A_76 = arith.constant 128 : i32
        %mul3A_77 = arith.muli %sub3A_75, %mul3A_76 : i32
        %add3A_78 = arith.addi %mul3A_2, %mul3A_77 : i32
        %dma_wait3A_79 = arith.constant 0 : i32
        %dma_wait3A_80 = tpu.memref_slice %arg4[%add3A_78, %dma_wait3A_79] : memref<204800x256xf32, #tpu.memory_space<hbm>> -> memref<128x256xf32, #tpu.memory_space<hbm>>
        %dma_wait3A_81 = arith.constant 0 : i32
        %dma_wait3A_82 = tpu.memref_slice %arg4[%add3A_78, %dma_wait3A_81] : memref<204800x256xf32, #tpu.memory_space<hbm>> -> memref<128x256xf32, #tpu.memory_space<hbm>>
        tpu.wait_dma2 semaphore(%arg10 : memref<!tpu.dma_semaphore, #tpu.memory_space<semaphore_mem>>) src(%arg6 : memref<128x256xf32, #tpu.memory_space<vmem>>) dst(%dma_wait3A_82 : memref<128x256xf32, #tpu.memory_space<hbm>>)
      } else {
      }
      %add3A_54 = arith.constant 1 : i32
      %add3A_55 = arith.addi %add3A_48, %add3A_54 : i32
      %lt3A_56 = arith.constant 50 : i32
      %lt3A_57 = arith.cmpi slt, %add3A_55, %lt3A_56 : i32
      %convert_element_type3A_58 = arith.extui %lt3A_57 : i1 to i32
      %cond3A_59 = arith.constant 0 : i32
      %cond3A_60 = arith.cmpi ne, %convert_element_type3A_58, %cond3A_59 : i32
      scf.if %cond3A_60 {
        %add3A_75 = arith.constant 1 : i32
        %add3A_76 = arith.addi %add3A_48, %add3A_75 : i32
        %dma_start3A_77 = arith.constant 0 : i32
        %dma_start3A_78 = tpu.memref_slice %arg5[%add3A_76, %dma_start3A_77] : memref<50x128xi32, #tpu.memory_space<vmem>> -> memref<1x128xi32, #tpu.memory_space<vmem>>
        %dma_start3A_79 = tpu.memref_squeeze %dma_start3A_78 : memref<1x128xi32, #tpu.memory_space<vmem>> -> memref<128xi32, #tpu.memory_space<vmem>>
        %dma_start3A_80 = arith.constant 0 : i32
        %dma_start3A_81 = arith.constant 0 : i32
        %dma_start3A_82 = tpu.memref_slice %arg2[%dma_start3A_80, %dma_start3A_81] : memref<5184x256xf32, #tpu.memory_space<hbm>> -> memref<5184x256xf32, #tpu.memory_space<hbm>>
        tpu.enqueue_indirect_dma source(%dma_start3A_82 : memref<5184x256xf32, #tpu.memory_space<hbm>>) target(%arg6 : memref<128x256xf32, #tpu.memory_space<vmem>>) offsets(%dma_start3A_79 : memref<128xi32, #tpu.memory_space<vmem>>) semaphore(%arg8 : memref<!tpu.dma_semaphore, #tpu.memory_space<semaphore_mem>>)
      } else {
      }
      %dma_wait3A_61 = arith.constant 0 : i32
      %dma_wait3A_62 = tpu.memref_slice %arg5[%add3A_48, %dma_wait3A_61] : memref<50x128xi32, #tpu.memory_space<vmem>> -> memref<1x128xi32, #tpu.memory_space<vmem>>
      %dma_wait3A_63 = tpu.memref_squeeze %dma_wait3A_62 : memref<1x128xi32, #tpu.memory_space<vmem>> -> memref<128xi32, #tpu.memory_space<vmem>>
      %dma_wait3A_64 = arith.constant 0 : i32
      %dma_wait3A_65 = arith.constant 0 : i32
      %dma_wait3A_66 = tpu.memref_slice %arg2[%dma_wait3A_64, %dma_wait3A_65] : memref<5184x256xf32, #tpu.memory_space<hbm>> -> memref<5184x256xf32, #tpu.memory_space<hbm>>
      tpu.wait_indirect_dma semaphore(%arg9 : memref<!tpu.dma_semaphore, #tpu.memory_space<semaphore_mem>>) src(%dma_wait3A_66 : memref<5184x256xf32, #tpu.memory_space<hbm>>) dst(%arg7 : memref<128x256xf32, #tpu.memory_space<vmem>>)
      %mul3A_67 = arith.constant 128 : i32
      %mul3A_68 = arith.muli %add3A_48, %mul3A_67 : i32
      %add3A_69 = arith.addi %mul3A_2, %mul3A_68 : i32
      %dma_start3A_70 = arith.constant 0 : i32
      %dma_start3A_71 = tpu.memref_slice %arg4[%add3A_69, %dma_start3A_70] : memref<204800x256xf32, #tpu.memory_space<hbm>> -> memref<128x256xf32, #tpu.memory_space<hbm>>
      %dma_start3A_72 = arith.constant 0 : i32
      %dma_start3A_73 = tpu.memref_slice %arg4[%add3A_69, %dma_start3A_72] : memref<204800x256xf32, #tpu.memory_space<hbm>> -> memref<128x256xf32, #tpu.memory_space<hbm>>
      tpu.enqueue_dma source(%arg7 : memref<128x256xf32, #tpu.memory_space<vmem>>) target(%dma_start3A_73 : memref<128x256xf32, #tpu.memory_space<hbm>>) target_semaphore(%arg11 : memref<!tpu.dma_semaphore, #tpu.memory_space<semaphore_mem>>)
      %scan3A_74 = arith.constant 0 : i32
      scf.yield %scan3A_74 : i32
    }
    %scan3A_14 = arith.constant 25 : i32
    %add3A_15 = arith.constant 6272 : i32
    %add3A_16 = arith.addi %mul3A_2, %add3A_15 : i32
    %dma_wait3A = arith.constant 0 : i32
    %dma_wait3A_17 = tpu.memref_slice %arg4[%add3A_16, %dma_wait3A] : memref<204800x256xf32, #tpu.memory_space<hbm>> -> memref<128x256xf32, #tpu.memory_space<hbm>>
    %dma_wait3A_18 = arith.constant 0 : i32
    %dma_wait3A_19 = tpu.memref_slice %arg4[%add3A_16, %dma_wait3A_18] : memref<204800x256xf32, #tpu.memory_space<hbm>> -> memref<128x256xf32, #tpu.memory_space<hbm>>
    tpu.wait_dma2 semaphore(%arg11 : memref<!tpu.dma_semaphore, #tpu.memory_space<semaphore_mem>>) src(%arg7 : memref<128x256xf32, #tpu.memory_space<vmem>>) dst(%dma_wait3A_19 : memref<128x256xf32, #tpu.memory_space<hbm>>)
    return
  }
}

module attributes {stable_mosaic.version = 14 : i64} {
  func.func @_table_kernel(%arg0: i32, %arg1: memref<2x128xf32, #tpu.memory_space<vmem>>, %arg2: memref<648x256xf32, #tpu.memory_space<vmem>>) attributes {dimension_semantics = [#tpu.dimension_semantics<arbitrary>], iteration_bounds = array<i64: 8>, scalar_prefetch = 0 : i64, scratch_operands = 0 : i64, tpu.core_type = #tpu.core_type<tc>, window_params = [{pipeline_mode = #tpu.pipeline_mode<synchronous>, transform_indices = @transform_0, window_bounds = array<i64: 2, 128>}, {transform_indices = @transform_1, window_bounds = array<i64: 648, 256>}]} {
    %iota3A = tpu.iota {dimensions = array<i32: 0>} : vector<648x1xi32>
    %ge3A = arith.constant 2 : i32
    %ge3A_0 = vector.broadcast %ge3A : i32 to vector<648x1xi32>
    %ge3A_1 = arith.cmpi sge, %iota3A, %ge3A_0 : vector<648x1xi32>
    %sub3A = arith.constant 3 : i32
    %sub3A_2 = vector.broadcast %sub3A : i32 to vector<648x1xi32>
    %sub3A_3 = arith.subi %iota3A, %sub3A_2 : vector<648x1xi32>
    %convert_element_type3A = arith.sitofp %sub3A_3 : vector<648x1xi32> to vector<648x1xf32>
    %div3A = arith.constant 3.200000e+01 : f32
    %div3A_4 = vector.broadcast %div3A : f32 to vector<648x1xf32>
    %div3A_5 = arith.divf %convert_element_type3A, %div3A_4 : vector<648x1xf32>
    %floor3A = math.floor %div3A_5 : vector<648x1xf32>
    %mul3A = arith.constant 3.200000e+01 : f32
    %mul3A_6 = vector.broadcast %mul3A : f32 to vector<648x1xf32>
    %mul3A_7 = arith.mulf %mul3A_6, %floor3A : vector<648x1xf32>
    %sub3A_8 = arith.subf %convert_element_type3A, %mul3A_7 : vector<648x1xf32>
    %div3A_9 = arith.constant 3.200000e+01 : f32
    %div3A_10 = vector.broadcast %div3A_9 : f32 to vector<648x1xf32>
    %div3A_11 = arith.divf %sub3A_8, %div3A_10 : vector<648x1xf32>
    %mul3A_12 = arith.constant 2.000000e+00 : f32
    %mul3A_13 = vector.broadcast %mul3A_12 : f32 to vector<648x1xf32>
    %mul3A_14 = arith.mulf %mul3A_13, %div3A_11 : vector<648x1xf32>
    %sub3A_15 = arith.constant 1.000000e+00 : f32
    %sub3A_16 = vector.broadcast %sub3A_15 : f32 to vector<648x1xf32>
    %sub3A_17 = arith.subf %mul3A_14, %sub3A_16 : vector<648x1xf32>
    %div3A_18 = arith.constant 2.000000e+01 : f32
    %div3A_19 = vector.broadcast %div3A_18 : f32 to vector<648x1xf32>
    %div3A_20 = arith.divf %floor3A, %div3A_19 : vector<648x1xf32>
    %mul3A_21 = arith.constant 2.000000e+00 : f32
    %mul3A_22 = vector.broadcast %mul3A_21 : f32 to vector<648x1xf32>
    %mul3A_23 = arith.mulf %mul3A_22, %div3A_20 : vector<648x1xf32>
    %sub3A_24 = arith.constant 1.000000e+00 : f32
    %sub3A_25 = vector.broadcast %sub3A_24 : f32 to vector<648x1xf32>
    %sub3A_26 = arith.subf %mul3A_23, %sub3A_25 : vector<648x1xf32>
    %convert_element_type3A_27 = arith.truncf %sub3A_17 : vector<648x1xf32> to vector<648x1xbf16>
    %convert_element_type3A_28 = arith.extf %convert_element_type3A_27 : vector<648x1xbf16> to vector<648x1xf32>
    %convert_element_type3A_29 = arith.truncf %sub3A_26 : vector<648x1xf32> to vector<648x1xbf16>
    %convert_element_type3A_30 = arith.extf %convert_element_type3A_29 : vector<648x1xbf16> to vector<648x1xf32>
    %get3A = arith.constant 0 : index
    %get3A_31 = arith.constant 0 : index
    %get3A_32 = vector.load %arg1[%get3A, %get3A_31] : memref<2x128xf32, #tpu.memory_space<vmem>>, vector<1x128xf32>
    %convert_element_type3A_33 = arith.truncf %get3A_32 : vector<1x128xf32> to vector<1x128xbf16>
    %convert_element_type3A_34 = arith.extf %convert_element_type3A_33 : vector<1x128xbf16> to vector<1x128xf32>
    %get3A_35 = arith.constant 1 : index
    %get3A_36 = arith.constant 0 : index
    %get3A_37 = vector.load %arg1[%get3A_35, %get3A_36] : memref<2x128xf32, #tpu.memory_space<vmem>>, vector<1x128xf32>
    %convert_element_type3A_38 = arith.truncf %get3A_37 : vector<1x128xf32> to vector<1x128xbf16>
    %convert_element_type3A_39 = arith.extf %convert_element_type3A_38 : vector<1x128xbf16> to vector<1x128xf32>
    %mul3A_40 = vector.broadcast %convert_element_type3A_28 : vector<648x1xf32> to vector<648x128xf32>
    %mul3A_41 = vector.broadcast %convert_element_type3A_34 : vector<1x128xf32> to vector<648x128xf32>
    %mul3A_42 = arith.mulf %mul3A_40, %mul3A_41 : vector<648x128xf32>
    %mul3A_43 = vector.broadcast %convert_element_type3A_30 : vector<648x1xf32> to vector<648x128xf32>
    %mul3A_44 = vector.broadcast %convert_element_type3A_39 : vector<1x128xf32> to vector<648x128xf32>
    %mul3A_45 = arith.mulf %mul3A_43, %mul3A_44 : vector<648x128xf32>
    %add3A = arith.addf %mul3A_42, %mul3A_45 : vector<648x128xf32>
    %round3A = math.roundeven %add3A : vector<648x128xf32>
    %sub3A_46 = arith.subf %add3A, %round3A : vector<648x128xf32>
    %mul3A_47 = arith.constant 6.28318548 : f32
    %mul3A_48 = vector.broadcast %mul3A_47 : f32 to vector<648x128xf32>
    %mul3A_49 = arith.mulf %mul3A_48, %sub3A_46 : vector<648x128xf32>
    %sin3A = math.sin %mul3A_49 : vector<648x128xf32>
    %cos3A = math.cos %mul3A_49 : vector<648x128xf32>
    %concatenate3A = tpu.concatenate %sin3A, %cos3A in 1 : vector<648x128xf32>, vector<648x128xf32> -> vector<648x256xf32>
    %jit3A = arith.constant 0.000000e+00 : f32
    %broadcast_in_dim3A = vector.shape_cast %ge3A_1 : vector<648x1xi1> to vector<648x1xi1>
    %broadcast_in_dim3A_50 = vector.broadcast %broadcast_in_dim3A : vector<648x1xi1> to vector<648x256xi1>
    %broadcast_in_dim3A_51 = vector.broadcast %jit3A : f32 to vector<648x256xf32>
    %select_n3A = arith.select %broadcast_in_dim3A_50, %concatenate3A, %broadcast_in_dim3A_51 : vector<648x256xi1>, vector<648x256xf32>
    %swap3A = arith.constant 0 : index
    %swap3A_52 = arith.constant 0 : index
    %swap3A_53 = vector.load %arg2[%swap3A, %swap3A_52] : memref<648x256xf32, #tpu.memory_space<vmem>>, vector<648x256xf32>
    tpu.vector_store %arg2[%swap3A, %swap3A_52], %select_n3A {strides = array<i32>} : memref<648x256xf32, #tpu.memory_space<vmem>>, vector<648x256xf32>,
    return
  }
  func.func @transform_0(%arg0: i32) -> (i32, i32) {
    %c0_i32 = arith.constant 0 : i32
    %c0_i32_0 = arith.constant 0 : i32
    %c0_i32_1 = arith.constant 0 : i32
    return %c0_i32, %c0_i32_0 : i32, i32
  }
  func.func @transform_1(%arg0: i32) -> (i32, i32) {
    %c0_i32 = arith.constant 0 : i32
    %c0_i32_0 = arith.constant 0 : i32
    return %arg0, %c0_i32 : i32, i32
  }
}

</mosaic_0001>

<sc_bundles>
// kernel: kernel.4.cloned.1.call-start
scs
__scs_entry_jumppad:
0x0: {  	(pc) =	sbr.rel $0x88, $3  }
0x1: {  	(tag) =	ssettag $0x0;
	lr =	simm.s32 $0x1  }
0x2: {  	[smem:$0x3F9F] =	sst lr;
	_ =	strace $0xD0000000  }
0x3: {  	_ = 	snop  }
0x4: {  	_ = 	snop  }
0x5: {  	_ = 	snop  }
0x6: {  	_ = 	snop  }
0x7: {  	_ = 	snop  }
__scs_overlays_trampoline_lowered:
0x8: {  	[smem:$0x3FAE] =	sst s0  }
0x9: {  	[smem:$0x3FAF] =	sst s1  }
0xa: {  	[smem:$0x3FB0] =	sst s2  }
0xb: {  	[smem:$0x3FB1] =	sst s3  }
0xc: {  	[smem:$0x3FB2] =	sst s4  }
0xd: {  	[smem:$0x3FB3] =	sst s5  }
0xe: {  	[smem:$0x3FB4] =	sst s6  }
0xf: {  	[smem:$0x3FB5] =	sst s7  }
0x10: {  	[smem:$0x3FB6] =	sst s8  }
0x11: {  	[smem:$0x3FB7] =	sst s9;
	s0 =	simm.s32 @!p0 $0x0  }
0x12: {  	s1 =	sld [smem:$0x3F9D];
	s0 =	simm.s32 @p0 $0x1  }
0x13: {  	[smem:$0x3FB8] =	sst s0;
	s0 =	simm.s32 @!p1 $0x0  }
0x14: {  	s2 =	sld [smem:$0x3F9C];
	s0 =	simm.s32 @p1 $0x1  }
0x15: {  	[smem:$0x3FB9] =	sst s0;
	s0 =	simm.s32 @!p2 $0x0  }
0x16: {  	s3 =	sld [smem:$0x3FDB];
	s0 =	simm.s32 @p2 $0x1  }
0x17: {  	s4 =	simm.s32 $0x1BF5;
	[smem:$0x3FBB] =	sst s0  }
0x18: {  	s0 =	sld [smem:$0x3F9E];
	_ =	swait.ge [sflag:s4], $0x0  }
0x19: {  	s7 =	sld [smem:$0x3F9F]  }
0x1a: {  	s8 =	sadd.s32 $0xFFFFE003, lr  }
0x1b: {  	s9 =	sadd.s32 $0xFFFFFEF7, lr;
	s5 =	simm.s32 $0xFFFFFFFF;
	p2 =	slt.u32 s8, $0xFFFFF086  }
0x1c: {  	p1 =	slt.u32 s9, $0xF7A;
	s5 =	simm.s32 @!p2 $0x0  }
0x1d: {  	s5 =	simm.s32 @p1 $0x1;
	p0 =	seq.s32 s7, s2  }
0x1e: {  	s7 =	smul.u32 @!p0 $0xF7A, s2;
	p2 =	seq.s32 @!p0 s5, $0x0  }
0x1f: {  	s9 =	smul.u32 $0xF7A, s1;
	s8 =	simm.s32 @!p0 $0x1BF5;
	p2 =	por !p2, p0  }
0x20: {  	[sflag:s8] =	ssyncset.s32 @!p0 $0xFFFFF086;
	s6 =	sadd.s32 @!p0 s3, s7;
	s7 =	simm.s32 @!p0 $0x108  }
0x21: {  	s3 =	sadd.s32 s3, s9;
	s6 =	sadd.s32 @!p0 $0x88, s6;
	s7 =	simm.s32 @p2 $0x1082  }
0x22: {  	[simem:s7], [sflag:s8] =	dma.local @!p0 [hbm:s6], $0xF7A  }
0x23: {  	s9 =	sor.u32 $0xD0000000, s2;
	s6 =	simm.s32 $0x108;
	_ =	swait.ge @!p0 [sflag:s8], $0x0  }
0x24: {  	s3 =	sadd.s32 $0x88, s3;
	s6 =	simm.s32 @!p1 $0x1082;
	[sflag:s4] =	ssyncset.s32 $0xFFFFF086  }
0x25: {  	[simem:s6], [sflag:s4] =	dma.local [hbm:s3], $0xF7A  }
0x26: {  	[smem:$0x3F9F] =	sst s1;
	(tag) =	ssettag s2;
	_ =	strace s9  }
0x27: {  	s1 =	sld [smem:$0x3FAF]  }
0x28: {  	s2 =	sld [smem:$0x3FB0]  }
0x29: {  	s4 =	sld [smem:$0x3FB2]  }
0x2a: {  	p0 =	seq.s32 s5, $0x0;
	s5 =	sld [smem:$0x3FB3]  }
0x2b: {  	s6 =	sld [smem:$0x3FB4]  }
0x2c: {  	s7 =	sld [smem:$0x3FB5]  }
0x2d: {  	s3 =	simm.s32 $0x108;
	s8 =	sld [smem:$0x3FB6]  }
0x2e: {  	s3 =	simm.s32 @!p0 $0x1082;
	s9 =	sld [smem:$0x3FB7]  }
0x2f: {  	lr =	sadd.s32 s0, s3;
	s0 =	sld [smem:$0x3FAE]  }
0x30: {  	s3 =	sld [smem:$0x3FB1]  }
0x31: {  	[smem:$0x3FBA] =	sst s10  }
0x32: {  	s10 =	sld [smem:$0x3FB8];
	_ =	sdelay $0x3  }
0x33: {  	p0 =	seq.s32 s10, $0x1;
	s10 =	sld [smem:$0x3FBA];
	_ =	sdelay $0x3  }
0x34: {  	[smem:$0x3FBA] =	sst s10  }
0x35: {  	s10 =	sld [smem:$0x3FB9];
	_ =	sdelay $0x3  }
0x36: {  	p1 =	seq.s32 s10, $0x1;
	s10 =	sld [smem:$0x3FBA];
	_ =	sdelay $0x3  }
0x37: {  	[smem:$0x3FBA] =	sst s10  }
0x38: {  	s10 =	sld [smem:$0x3FBB]  }
0x39: {  	_ = 	snop;
	(pc) =	sbr.ind lr, $3  }
0x3a: {  	_ = 	snop  }
0x3b: {  	_ = 	snop  }
0x3c: {  	p2 =	seq.s32 s10, $0x1;
	s10 =	sld [smem:$0x3FBA]  }
0x3d: {  	_ =	shalt  }
0x3e: {  	_ =	shalt  }
0x3f: {  	_ =	shalt  }
0x40: {  	_ =	shalt  }
0x41: {  	_ =	shalt  }
0x42: {  	_ =	shalt  }
0x43: {  	_ =	shalt  }
0x44: {  	_ =	shalt  }
0x45: {  	_ =	shalt  }
0x46: {  	_ =	shalt  }
0x47: {  	_ =	shalt  }
0x48: {  	_ =	shalt  }
0x49: {  	_ =	shalt  }
0x4a: {  	_ =	shalt  }
0x4b: {  	_ =	shalt  }
0x4c: {  	_ =	shalt  }
0x4d: {  	_ =	shalt  }
0x4e: {  	_ =	shalt  }
0x4f: {  	_ =	shalt  }
0x50: {  	_ =	shalt  }
0x51: {  	_ =	shalt  }
0x52: {  	_ =	shalt  }
0x53: {  	_ =	shalt  }
0x54: {  	_ =	shalt  }
0x55: {  	_ =	shalt  }
0x56: {  	_ =	shalt  }
0x57: {  	_ =	shalt  }
0x58: {  	_ =	shalt  }
0x59: {  	_ =	shalt  }
0x5a: {  	_ =	shalt  }
0x5b: {  	_ =	shalt  }
0x5c: {  	_ =	shalt  }
0x5d: {  	_ =	shalt  }
0x5e: {  	_ =	shalt  }
0x5f: {  	_ =	shalt  }
0x60: {  	_ =	shalt  }
0x61: {  	_ =	shalt  }
0x62: {  	_ =	shalt  }
0x63: {  	_ =	shalt  }
0x64: {  	_ =	shalt  }
0x65: {  	_ =	shalt  }
0x66: {  	_ =	shalt  }
0x67: {  	_ =	shalt  }
0x68: {  	_ =	shalt  }
0x69: {  	_ =	shalt  }
0x6a: {  	_ =	shalt  }
0x6b: {  	_ =	shalt  }
0x6c: {  	_ =	shalt  }
0x6d: {  	_ =	shalt  }
0x6e: {  	_ =	shalt  }
0x6f: {  	_ =	shalt  }
0x70: {  	_ =	shalt  }
0x71: {  	_ =	shalt  }
0x72: {  	_ =	shalt  }
0x73: {  	_ =	shalt  }
0x74: {  	_ =	shalt  }
0x75: {  	_ =	shalt  }
0x76: {  	_ =	shalt  }
0x77: {  	_ =	shalt  }
0x78: {  	_ =	shalt  }
0x79: {  	_ =	shalt  }
0x7a: {  	_ =	shalt  }
0x7b: {  	_ =	shalt  }
0x7c: {  	_ =	shalt  }
0x7d: {  	_ =	shalt  }
0x7e: {  	_ =	shalt  }
0x7f: {  	_ =	shalt  }
0x80: {  	_ =	shalt  }
0x81: {  	_ =	shalt  }
0x82: {  	_ =	shalt  }
0x83: {  	_ =	shalt  }
0x84: {  	_ =	shalt  }
0x85: {  	_ =	shalt  }
0x86: {  	_ =	shalt  }
0x87: {  	_ =	shalt  }
.Lfunc_end0:
.L_simem_size_0:
called_computation_lowered:
.L_overlay_start_0:
0x88: {  	s2 =	sld [smem:$0x3FD9]  }
0x89: {  	s3 =	sld [smem:$0x3FFE];
	_ =	sdelay $0x1  }
0x8a: {  	s1 =	srdreg.scid  }
0x8b: {  	s0 =	sand.u32 $0x1, s1  }
0x8c: {  	s17 =	sshll.u32 s0, $0xA;
	s2 =	sadd.s32 s3, s2  }
0x8d: {  	s2 =	sadd.s32 s2, s17  }
0x8e: {  	[smem:$0x3FC6] =	sst s2  }
0x8f: {  	_ = 	snop  }
0x90: {  	s2 =	sld [smem:$0x3FD0];
	(tm) =	ssettm $0x1  }
0x91: {  	s18 =	sld [smem:$0x3FFB];
	_ =	sdelay $0x3  }
0x92: {  	_ =	strace s18  }
0x93: {  	s3 =	sld [smem:$0x3FFC];
	_ =	sdelay $0x3  }
0x94: {  	_ =	strace s3  }
0x95: {  	s3 =	sld [smem:$0x3FFD];
	_ =	sdelay $0x3  }
0x96: {  	_ =	strace s3  }
0x97: {  	_ =	strace $0x8FFFFFFF  }
0x98: {  	s19 =	sld [smem:$0x3FDB];
	_ =	sdelay $0x1  }
0x99: {  	s4 =	simm.s32 $_scs_section_size  }
0x9a: {  	s5 =	simm.s32 $_size__tile_overlayer_lowered;
	s6 =	simm.s32 $_tile_overlayer_lowered  }
0x9b: {  	s22 =	simm.s32 $0x1BFF;
	s21 =	sshll.u32 s6, $0x1;
	s3 =	sadd.s32 s4, s19  }
0x9c: {  	s7 =	simm.s32 $0x0;
	s20 =	sshll.u32 s5, $0x1;
	s5 =	sadd.s32 s21, s3  }
0x9d: {  	[timem:s7], [sflag:s22] =	dma.local [hbm:s5], s20  }
0x9e: {  	_ =	swait.ge [sflag:s22], s20  }
0x9f: {  	s4 =	ssub.s32 $0x0, s20;
	[sflag:s22] =	ssyncset.done $0x0  }
0xa0: {  	[sflag:s22] =	ssyncadd.s32 s4;
	_ =	sdelay $0x1  }
0xa1: {  	s23 =	simm.s32 $0x1B8B  }
0xa2: {  	_ =	swait.ge [sflag:s23], $0x1  }
0xa3: {  	[sflag:s23] =	ssyncset.done $0x0  }
0xa4: {  	s25 =	simm.s32 $0x1B8E;
	s24 =	sld [smem:$0x3FFE];
	[sflag:s23] =	ssyncadd.s32 $0xFFFFFFFF  }
0xa5: {  	s26 =	simm.s32 $execute0_lowered;
	[smem:$0x3FD2] =	sst s25  }
0xa6: {  	s5 =	sshll.u32 s26, $0x1;
	_ =	strace $0x80000046;
	[dreg:$0x1] =	wrdreg $0xFFFFFFFF  }
0xa7: {  	s28 =	simm.s32 $_size_execute0_lowered;
	s3 =	sadd.s32 s3, s5;
	[dreg:$0x0] =	wrdreg $0x0  }
0xa8: {  	s5 =	sshll.u32 s28, $0x1;
	[dreg:$0x2] =	wrdreg s3  }
0xa9: {  	[dreg:$0x3] =	wrdreg s5  }
0xaa: {  	[dreg:$0x4] =	wrdreg $0xC0  }
0xab: {  	_ =	task [dreg:s7], $0x5FFFF  }
0xac: {  	[dreg:$0x1] =	wrdreg $0xFFFFFFFF  }
0xad: {  	[dreg:$0x0] =	wrdreg $0x60  }
0xae: {  	[dreg:$0x2] =	wrdreg s24  }
0xaf: {  	[dreg:$0x3] =	wrdreg s2  }
0xb0: {  	[dreg:$0x4] =	wrdreg $0x9  }
0xb1: {  	_ =	task.clear_ibuf [dreg:s7], $0x5FFFF;
	_ =	strace $0x90000046  }
0xb2: {  	s29 =	simm.s32 $0x9;
	_ =	strace $0x80000048  }
0xb3: {  	_ =	swait.ge [sflag:s29], $0x1  }
0xb4: {  	[sflag:s29] =	ssyncadd.s32 $0xFFFFFFFF  }
0xb5: {  	_ =	strace $0x90000048  }
0xb6: {  	_ =	sfence  }
0xb7: {  	s30 =	sld [smem:$0x0];
	_ =	sdelay $0x2  }
0xb8: {  	s31 =	sshll.u32 s1, $0xD;
	s1 =	sshrl.u32 s1, $0x2  }
0xb9: {  	s3 =	sand.u32 $0x4000, s31;
	s1 =	sadd.s32 s1, s30  }
0xba: {  	s0 =	sor.u32 s3, s0;
	s1 =	sshll.u32 s1, $0x11  }
0xbb: {  	s0 =	sor.u32 s1, s0  }
0xbc: {  	s0 =	sadd.s32 $0x8F2B, s0  }
0xbd: {  	[sflag:s0] =	ssyncadd.remote.s32 $0x1  }
0xbe: {  	_ =	sfence.sel $0xFFFF  }
0xbf: {  	[dreg:$0x0] =	wrdreg $0xFFFFFFFF;
	(pc) =	sbr.abs _section_cstart, $3  }
0xc0: {  	[dreg:$0x1] =	wrdreg $0xFFFFFFFF  }
0xc1: {  	_ =	task.clear_ibuf [dreg:s7], $0x2FFFF;
	_ =	strace $0x9FFFFFFF  }
0xc2: {  	(tm) =	ssettm $0x7FFFFFFF  }
0xc3: {  	_ =	shalt  }
tec
execute0_lowered:
.L_overlay_start_1:
0x0: {  	(tag) =	ssettag $0x1  }
0x1: {  	s0 =	rddreg [dreg:$0x0]  }
0x2: {  	s1 =	rddreg [dreg:$0x1];
	s2 =	simm.s32 $0x0  }
0x3: {  	s3 =	srdreg.scid;
	s5 =	stileid.u32;
	s9 =	simm.s32 $0x1C00  }
0x4: {  	s21 =	simm.s32 $0x7C00;
	s28 =	simm.s32 $0xAC00;
	s29 =	simm.s32 $0xB400  }
0x5: {  	s30 =	simm.s32 $0xBC00;
	s31 =	simm.s32 $0xC400;
	s8 =	simm.s32 $0xEC00  }
0x6: {  	s10 =	simm.s32 $0xF400;
	s11 =	simm.s32 $0xFC00;
	s12 =	simm.s32 $0x10400  }
0x7: {  	s13 =	simm.s32 $0x10C00;
	s14 =	simm.s32 $0x11400;
	s15 =	simm.s32 $0x1  }
0x8: {  	s16 =	simm.s32 $0x3;
	s17 =	simm.s32 $0x2;
	s20 =	simm.s32 $0x0  }
0x9: {  	s4 =	sand.u32 $0x1, s3;
	s22 =	sshll.u32 s5, $0x1;
	s5 =	smul.u32 $0x320000, s5  }
0xa: {  	[smem:$0x7FF] =	sst s2;
	s3 =	sor.u32 s4, s22;
	s6 =	smul.u32 $0x190000, s4  }
0xb: {  	_ =	strace $0x80000047;
	s4 =	ssub.s32 $0x2, s4;
	s22 =	simm.s32 $0x8400  }
0xc: {  	s7 =	smul.u32 $0x380, s3;
	s3 =	sadd.s32 $0x800, s0;
	s23 =	sshrl.u32 s4, $0x1  }
0xd: {  	s5 =	sadd.s32 s6, s5;
	s4 =	ssub.s32 s4, s23;
	s23 =	simm.s32 $0x8C00  }
0xe: {  	s0 =	sadd.s32 s7, s0;
	s24 =	sor.u32 $0x8000, s5;
	s4 =	smax.u32 s4, $0x1  }
.Ltmp0:
0xf: {  	s26 =	sshrl.u32 s5, $0x3;
	s5 =	simm.s32 $0xE400;
	(pc) =	sbr.rel .LBB2_1-.Ltmp0, $4  }
0x10: {  	s0 =	sadd.s32 $0x29000, s0;
	s25 =	sshrl.u32 s24, $0x3;
	[dreg:$0x4] =	wrdreg s4  }
0x11: {  	v2 =	vlaneseq.u32;
	s7 =	sadd.s32 s26, s1;
	s24 =	simm.s32 $0x9400;
	s26 =	simm.s32 $0xA400  }
0x12: {  	vm0 =	vmmov $0xffff;
	v1 =	vshrl.u32 v2, $0x3;
	s4 =	simm.s32 $0xDC00;
	[dreg:$0x3] =	wrdreg s0;
	s6 =	sadd.s32 s25, s1  }
0x13: {  	v0 =	vand.u32 $0x7, v2;
	v2 =	vor.u32 $0x8, v2;
	v1 =	vmul.u32 $0x8, v1;
	s25 =	simm.s32 $0x9C00;
	s0 =	simm.s32 $0xCC00;
	s1 =	simm.s32 $0xD400  }
.LBB2_5:
0x14: {  	s19 =	simm.s32 $0x4  }
0x15: {  	_ =	swait.ge [sflag:s19], $0x8000  }
0x16: {  	s20 =	rddreg [dreg:$0x5]  }
0x17: {  	s18 =	rddreg [dreg:$0x4];
	s20 =	sadd.s32 $0x1, s20  }
0x18: {  	p0 =	sne.s32 s20, s18  }
.Ltmp1:
0x19: {  	_ = 	snop;
	(pc) =	sbr.rel @!p0 .LBB2_6-.Ltmp1, $3  }
0x1a: {  	_ =	sdelay $0x1  }
0x1b: {  	[sflag:s19] =	ssyncset.done $0x0  }
0x1c: {  	[sflag:s19] =	ssyncadd.s32 $0xFFFF8000  }
.LBB2_1:
0x1d: {  	[dreg:$0x5] =	wrdreg s20  }
0x1e: {  	s18 =	rddreg [dreg:$0x3];
	s19 =	simm.s32 $0x5  }
0x1f: {  	[tilespmem:s2], [sflag:$0x5] =	stream.linear.gather [hbm4b:s18+s2], $0x1900, $0x38;
	[tilespmem:$0x11C00] =	vst v63  }
0x20: {  	_ =	swait.ge [sflag:s19], $0x1900  }
0x21: {  	[sflag:s19] =	ssyncset.done $0x0  }
0x22: {  	[sflag:s19] =	ssyncadd.s32 $0xFFFFE700  }
0x23: {  	v3 =	vld [tilespmem:$0x0];
	_ =	sdelay $0x4  }
0x24: {  	v4 =	vshll.u32 v3, $0x1  }
0x25: {  	v3 =	vand.u32 $0x7, v3;
	v4 =	vand.u32 $0xFFFFFFF0, v4  }
0x26: {  	v3 =	vor.u32 v3, v4  }
0x27: {  	v4 =	vperm.xlane v3, v0;
	_ =	sdelay $0x1  }
0x28: {  	v3 =	vperm.xlane v3, v2;
	v4 =	vadd.s32 v1, v4;
	_ =	sdelay $0x1  }
0x29: {  	v3 =	vadd.s32 v1, v3;
	_ =	sdelay $0x2  }
0x2a: {  	[tilespmem:s9], [sflag:$0x1] =	stream.indirect_vreg.gather [hbm4b:s3+s2], $0x80, v4, vm0, $0xb8;
	[tilespmem:$0x11C00] =	vst v63  }
0x2b: {  	s20 =	simm.s32 $0x2400  }
0x2c: {  	[tilespmem:s20], [sflag:$0x1] =	stream.indirect_vreg.gather [hbm4b:s3+s2], $0x80, v3, vm0, $0xb8;
	[tilespmem:$0x11C00] =	vst v63  }
0x2d: {  	v3 =	vld [tilespmem:$0x10];
	_ =	sdelay $0x4  }
0x2e: {  	v57 =	vshll.u32 v3, $0x1  }
0x2f: {  	v3 =	vand.u32 $0x7, v3;
	v4 =	vand.u32 $0xFFFFFFF0, v57  }
0x30: {  	v3 =	vor.u32 v3, v4  }
0x31: {  	v4 =	vperm.xlane v3, v0;
	_ =	sdelay $0x1  }
0x32: {  	v3 =	vperm.xlane v3, v2;
	v4 =	vadd.s32 v1, v4;
	_ =	sdelay $0x1  }
0x33: {  	v3 =	vadd.s32 v1, v3;
	_ =	sdelay $0x1  }
0x34: {  	s19 =	simm.s32 $0x2C00  }
0x35: {  	[tilespmem:s19], [sflag:$0x1] =	stream.indirect_vreg.gather [hbm4b:s3+s2], $0x80, v4, vm0, $0xb8;
	[tilespmem:$0x11C00] =	vst v63  }
0x36: {  	s20 =	simm.s32 $0x3400  }
0x37: {  	[tilespmem:s20], [sflag:$0x1] =	stream.indirect_vreg.gather [hbm4b:s3+s2], $0x80, v3, vm0, $0xb8;
	[tilespmem:$0x11C00] =	vst v63  }
0x38: {  	v3 =	vld [tilespmem:$0x20];
	_ =	sdelay $0x4  }
0x39: {  	v58 =	vshll.u32 v3, $0x1  }
0x3a: {  	v3 =	vand.u32 $0x7, v3;
	v4 =	vand.u32 $0xFFFFFFF0, v58  }
0x3b: {  	v3 =	vor.u32 v3, v4  }
0x3c: {  	v4 =	vperm.xlane v3, v0;
	_ =	sdelay $0x1  }
0x3d: {  	v3 =	vperm.xlane v3, v2;
	v4 =	vadd.s32 v1, v4;
	_ =	sdelay $0x1  }
0x3e: {  	v3 =	vadd.s32 v1, v3;
	_ =	sdelay $0x1  }
0x3f: {  	s19 =	simm.s32 $0x3C00  }
0x40: {  	[tilespmem:s19], [sflag:$0x1] =	stream.indirect_vreg.gather [hbm4b:s3+s2], $0x80, v4, vm0, $0xb8;
	[tilespmem:$0x11C00] =	vst v63  }
0x41: {  	s20 =	simm.s32 $0x4400  }
0x42: {  	[tilespmem:s20], [sflag:$0x1] =	stream.indirect_vreg.gather [hbm4b:s3+s2], $0x80, v3, vm0, $0xb8;
	[tilespmem:$0x11C00] =	vst v63  }
0x43: {  	v3 =	vld [tilespmem:$0x30];
	_ =	sdelay $0x4  }
0x44: {  	v59 =	vshll.u32 v3, $0x1  }
0x45: {  	v3 =	vand.u32 $0x7, v3;
	v4 =	vand.u32 $0xFFFFFFF0, v59  }
0x46: {  	v3 =	vor.u32 v3, v4  }
0x47: {  	v4 =	vperm.xlane v3, v0;
	_ =	sdelay $0x1  }
0x48: {  	v3 =	vperm.xlane v3, v2;
	v4 =	vadd.s32 v1, v4;
	_ =	sdelay $0x1  }
0x49: {  	v3 =	vadd.s32 v1, v3;
	_ =	sdelay $0x1  }
0x4a: {  	s19 =	simm.s32 $0x4C00  }
0x4b: {  	[tilespmem:s19], [sflag:$0x1] =	stream.indirect_vreg.gather [hbm4b:s3+s2], $0x80, v4, vm0, $0xb8;
	[tilespmem:$0x11C00] =	vst v63  }
0x4c: {  	s20 =	simm.s32 $0x5400  }
0x4d: {  	[tilespmem:s20], [sflag:$0x1] =	stream.indirect_vreg.gather [hbm4b:s3+s2], $0x80, v3, vm0, $0xb8;
	[tilespmem:$0x11C00] =	vst v63  }
0x4e: {  	v3 =	vld [tilespmem:$0x40];
	_ =	sdelay $0x4  }
0x4f: {  	v60 =	vshll.u32 v3, $0x1  }
0x50: {  	v3 =	vand.u32 $0x7, v3;
	v4 =	vand.u32 $0xFFFFFFF0, v60  }
0x51: {  	v3 =	vor.u32 v3, v4  }
0x52: {  	v4 =	vperm.xlane v3, v0;
	_ =	sdelay $0x1  }
0x53: {  	v3 =	vperm.xlane v3, v2;
	v4 =	vadd.s32 v1, v4;
	_ =	sdelay $0x1  }
0x54: {  	v3 =	vadd.s32 v1, v3;
	_ =	sdelay $0x1  }
0x55: {  	s19 =	simm.s32 $0x5C00  }
0x56: {  	[tilespmem:s19], [sflag:$0x1] =	stream.indirect_vreg.gather [hbm4b:s3+s2], $0x80, v4, vm0, $0xb8;
	[tilespmem:$0x11C00] =	vst v63  }
0x57: {  	s20 =	simm.s32 $0x6400  }
0x58: {  	[tilespmem:s20], [sflag:$0x1] =	stream.indirect_vreg.gather [hbm4b:s3+s2], $0x80, v3, vm0, $0xb8;
	[tilespmem:$0x11C00] =	vst v63  }
0x59: {  	v3 =	vld [tilespmem:$0x50];
	_ =	sdelay $0x4  }
0x5a: {  	v61 =	vshll.u32 v3, $0x1  }
0x5b: {  	v3 =	vand.u32 $0x7, v3;
	v4 =	vand.u32 $0xFFFFFFF0, v61  }
0x5c: {  	v3 =	vor.u32 v3, v4  }
0x5d: {  	v4 =	vperm.xlane v3, v0;
	_ =	sdelay $0x1  }
0x5e: {  	v3 =	vperm.xlane v3, v2;
	v4 =	vadd.s32 v1, v4;
	_ =	sdelay $0x1  }
0x5f: {  	v3 =	vadd.s32 v1, v3;
	_ =	sdelay $0x1  }
0x60: {  	s19 =	simm.s32 $0x6C00  }
0x61: {  	[tilespmem:s19], [sflag:$0x1] =	stream.indirect_vreg.gather [hbm4b:s3+s2], $0x80, v4, vm0, $0xb8;
	[tilespmem:$0x11C00] =	vst v63  }
0x62: {  	s20 =	simm.s32 $0x7400  }
0x63: {  	[tilespmem:s20], [sflag:$0x1] =	stream.indirect_vreg.gather [hbm4b:s3+s2], $0x80, v3, vm0, $0xb8;
	[tilespmem:$0x11C00] =	vst v63  }
0x64: {  	v3 =	vld [tilespmem:$0x60];
	_ =	sdelay $0x4  }
0x65: {  	v62 =	vshll.u32 v3, $0x1  }
0x66: {  	v3 =	vand.u32 $0x7, v3;
	v4 =	vand.u32 $0xFFFFFFF0, v62  }
0x67: {  	v3 =	vor.u32 v3, v4  }
0x68: {  	v4 =	vperm.xlane v3, v0;
	_ =	sdelay $0x1  }
0x69: {  	v3 =	vperm.xlane v3, v2;
	v4 =	vadd.s32 v1, v4;
	_ =	sdelay $0x1  }
0x6a: {  	v3 =	vadd.s32 v1, v3;
	_ =	sdelay $0x2  }
0x6b: {  	[tilespmem:s21], [sflag:$0x1] =	stream.indirect_vreg.gather [hbm4b:s3+s2], $0x80, v4, vm0, $0xb8;
	[tilespmem:$0x11C00] =	vst v63  }
0x6c: {  	_ = 	snop  }
0x6d: {  	[tilespmem:s22], [sflag:$0x1] =	stream.indirect_vreg.gather [hbm4b:s3+s2], $0x80, v3, vm0, $0xb8;
	[tilespmem:$0x11C00] =	vst v63  }
0x6e: {  	v3 =	vld [tilespmem:$0x70];
	_ =	sdelay $0x4  }
0x6f: {  	v63 =	vshll.u32 v3, $0x1  }
0x70: {  	v3 =	vand.u32 $0x7, v3;
	v4 =	vand.u32 $0xFFFFFFF0, v63  }
0x71: {  	v3 =	vor.u32 v3, v4  }
0x72: {  	v4 =	vperm.xlane v3, v0;
	_ =	sdelay $0x1  }
0x73: {  	v3 =	vperm.xlane v3, v2;
	v4 =	vadd.s32 v1, v4;
	_ =	sdelay $0x1  }
0x74: {  	v3 =	vadd.s32 v1, v3  }
.Ltmp2:
0x75: {  	_ = 	snop;
	(pc) =	sbr.rel .LBB2_2-.Ltmp2, $4  }
0x76: {  	_ = 	snop  }
0x77: {  	[tilespmem:s23], [sflag:$0x1] =	stream.indirect_vreg.gather [hbm4b:s3+s2], $0x80, v4, vm0, $0xb8;
	[tilespmem:$0x11C00] =	vst v63  }
0x78: {  	s18 =	simm.s32 $0xC0;
	s19 =	simm.s32 $0x0  }
0x79: {  	[tilespmem:s24], [sflag:$0x1] =	stream.indirect_vreg.gather [hbm4b:s3+s2], $0x80, v3, vm0, $0xb8;
	[tilespmem:$0x11C00] =	vst v63  }
.LBB2_4:
0x7a: {  	s20 =	sadd.s32 s19, s6;
	s19 =	sadd.s32 $0x2000, s19  }
0x7b: {  	p0 =	sne.s32 s19, $0x32000  }
.Ltmp3:
0x7c: {  	_ = 	snop;
	(pc) =	sbr.rel @!p0 .LBB2_5-.Ltmp3, $4  }
0x7d: {  	_ =	swait.ge [sflag:s17], $0x8000  }
0x7e: {  	[sflag:s17] =	ssyncset.done $0x0  }
0x7f: {  	s18 =	sadd.s32 $0x100, s18;
	[sflag:s17] =	ssyncadd.s32 $0xFFFF8000  }
0x80: {  	[hbm4b:s20+s2] =	stream.linear.scatter [tilespmem:s25], [sflag:$0x4], $0x8000, $0x38;
	[tilespmem:$0x11C00] =	vst v63  }
.LBB2_2:
0x81: {  	p0 =	seq.s32 s19, $0x0  }
0x82: {  	s20 =	simm.s32 @!p0 $0x4  }
0x83: {  	_ =	swait.ge @!p0 [sflag:s20], $0x8000  }
0x84: {  	[sflag:s20] =	ssyncset.done @!p0 $0x0  }
0x85: {  	[sflag:s20] =	ssyncadd.s32 @!p0 $0xFFFF8000  }
0x86: {  	v3 =	vld [tilespmem:s18+$0xFFFFFFC0];
	_ =	sdelay $0x4  }
0x87: {  	v4 =	vshll.u32 v3, $0x1  }
0x88: {  	v3 =	vand.u32 $0x7, v3;
	v4 =	vand.u32 $0xFFFFFFF0, v4  }
0x89: {  	v3 =	vor.u32 v3, v4  }
0x8a: {  	v4 =	vperm.xlane v3, v0;
	_ =	sdelay $0x1  }
0x8b: {  	v3 =	vperm.xlane v3, v2;
	v4 =	vadd.s32 v1, v4;
	_ =	sdelay $0x1  }
0x8c: {  	v3 =	vadd.s32 v1, v3;
	_ =	sdelay $0x2  }
0x8d: {  	[tilespmem:s25], [sflag:$0x2] =	stream.indirect_vreg.gather [hbm4b:s3+s2], $0x80, v4, vm0, $0xb8;
	[tilespmem:$0x11C00] =	vst v63  }
0x8e: {  	_ = 	snop  }
0x8f: {  	[tilespmem:s26], [sflag:$0x2] =	stream.indirect_vreg.gather [hbm4b:s3+s2], $0x80, v3, vm0, $0xb8;
	[tilespmem:$0x11C00] =	vst v63  }
0x90: {  	v3 =	vld [tilespmem:s18+$0xFFFFFFD0];
	_ =	sdelay $0x4  }
0x91: {  	v57 =	vshll.u32 v3, $0x1  }
0x92: {  	v3 =	vand.u32 $0x7, v3;
	v4 =	vand.u32 $0xFFFFFFF0, v57  }
0x93: {  	v3 =	vor.u32 v3, v4  }
0x94: {  	v4 =	vperm.xlane v3, v0;
	_ =	sdelay $0x1  }
0x95: {  	v3 =	vperm.xlane v3, v2;
	v4 =	vadd.s32 v1, v4;
	_ =	sdelay $0x1  }
0x96: {  	v3 =	vadd.s32 v1, v3;
	_ =	sdelay $0x2  }
0x97: {  	[tilespmem:s28], [sflag:$0x2] =	stream.indirect_vreg.gather [hbm4b:s3+s2], $0x80, v4, vm0, $0xb8;
	[tilespmem:$0x11C00] =	vst v63  }
0x98: {  	_ = 	snop  }
0x99: {  	[tilespmem:s29], [sflag:$0x2] =	stream.indirect_vreg.gather [hbm4b:s3+s2], $0x80, v3, vm0, $0xb8;
	[tilespmem:$0x11C00] =	vst v63  }
0x9a: {  	v3 =	vld [tilespmem:s18+$0xFFFFFFE0];
	_ =	sdelay $0x4  }
0x9b: {  	v58 =	vshll.u32 v3, $0x1  }
0x9c: {  	v3 =	vand.u32 $0x7, v3;
	v4 =	vand.u32 $0xFFFFFFF0, v58  }
0x9d: {  	v3 =	vor.u32 v3, v4  }
0x9e: {  	v4 =	vperm.xlane v3, v0;
	_ =	sdelay $0x1  }
0x9f: {  	v3 =	vperm.xlane v3, v2;
	v4 =	vadd.s32 v1, v4;
	_ =	sdelay $0x1  }
0xa0: {  	v3 =	vadd.s32 v1, v3;
	_ =	sdelay $0x2  }
0xa1: {  	[tilespmem:s30], [sflag:$0x2] =	stream.indirect_vreg.gather [hbm4b:s3+s2], $0x80, v4, vm0, $0xb8;
	[tilespmem:$0x11C00] =	vst v63  }
0xa2: {  	_ = 	snop  }
0xa3: {  	[tilespmem:s31], [sflag:$0x2] =	stream.indirect_vreg.gather [hbm4b:s3+s2], $0x80, v3, vm0, $0xb8;
	[tilespmem:$0x11C00] =	vst v63  }
0xa4: {  	v3 =	vld [tilespmem:s18+$0xFFFFFFF0];
	_ =	sdelay $0x4  }
0xa5: {  	v59 =	vshll.u32 v3, $0x1  }
0xa6: {  	v3 =	vand.u32 $0x7, v3;
	v4 =	vand.u32 $0xFFFFFFF0, v59  }
0xa7: {  	v3 =	vor.u32 v3, v4  }
0xa8: {  	v4 =	vperm.xlane v3, v0;
	_ =	sdelay $0x1  }
0xa9: {  	v3 =	vperm.xlane v3, v2;
	v4 =	vadd.s32 v1, v4;
	_ =	sdelay $0x1  }
0xaa: {  	v3 =	vadd.s32 v1, v3;
	_ =	sdelay $0x2  }
0xab: {  	[tilespmem:s0], [sflag:$0x2] =	stream.indirect_vreg.gather [hbm4b:s3+s2], $0x80, v4, vm0, $0xb8;
	[tilespmem:$0x11C00] =	vst v63  }
0xac: {  	_ = 	snop  }
0xad: {  	[tilespmem:s1], [sflag:$0x2] =	stream.indirect_vreg.gather [hbm4b:s3+s2], $0x80, v3, vm0, $0xb8;
	[tilespmem:$0x11C00] =	vst v63  }
0xae: {  	v3 =	vld [tilespmem:s18+$0x0];
	_ =	sdelay $0x4  }
0xaf: {  	v60 =	vshll.u32 v3, $0x1  }
0xb0: {  	v3 =	vand.u32 $0x7, v3;
	v4 =	vand.u32 $0xFFFFFFF0, v60  }
0xb1: {  	v3 =	vor.u32 v3, v4  }
0xb2: {  	v4 =	vperm.xlane v3, v0;
	_ =	sdelay $0x1  }
0xb3: {  	v3 =	vperm.xlane v3, v2;
	v4 =	vadd.s32 v1, v4;
	_ =	sdelay $0x1  }
0xb4: {  	v3 =	vadd.s32 v1, v3;
	_ =	sdelay $0x2  }
0xb5: {  	[tilespmem:s4], [sflag:$0x2] =	stream.indirect_vreg.gather [hbm4b:s3+s2], $0x80, v4, vm0, $0xb8;
	[tilespmem:$0x11C00] =	vst v63  }
0xb6: {  	_ = 	snop  }
0xb7: {  	[tilespmem:s5], [sflag:$0x2] =	stream.indirect_vreg.gather [hbm4b:s3+s2], $0x80, v3, vm0, $0xb8;
	[tilespmem:$0x11C00] =	vst v63  }
0xb8: {  	v3 =	vld [tilespmem:s18+$0x10];
	_ =	sdelay $0x4  }
0xb9: {  	v61 =	vshll.u32 v3, $0x1  }
0xba: {  	v3 =	vand.u32 $0x7, v3;
	v4 =	vand.u32 $0xFFFFFFF0, v61  }
0xbb: {  	v3 =	vor.u32 v3, v4  }
0xbc: {  	v4 =	vperm.xlane v3, v0;
	_ =	sdelay $0x1  }
0xbd: {  	v3 =	vperm.xlane v3, v2;
	v4 =	vadd.s32 v1, v4;
	_ =	sdelay $0x1  }
0xbe: {  	v3 =	vadd.s32 v1, v3;
	_ =	sdelay $0x2  }
0xbf: {  	[tilespmem:s8], [sflag:$0x2] =	stream.indirect_vreg.gather [hbm4b:s3+s2], $0x80, v4, vm0, $0xb8;
	[tilespmem:$0x11C00] =	vst v63  }
0xc0: {  	_ = 	snop  }
0xc1: {  	[tilespmem:s10], [sflag:$0x2] =	stream.indirect_vreg.gather [hbm4b:s3+s2], $0x80, v3, vm0, $0xb8;
	[tilespmem:$0x11C00] =	vst v63  }
0xc2: {  	v3 =	vld [tilespmem:s18+$0x20];
	_ =	sdelay $0x4  }
0xc3: {  	v62 =	vshll.u32 v3, $0x1  }
0xc4: {  	v3 =	vand.u32 $0x7, v3;
	v4 =	vand.u32 $0xFFFFFFF0, v62  }
0xc5: {  	v3 =	vor.u32 v3, v4  }
0xc6: {  	v4 =	vperm.xlane v3, v0;
	_ =	sdelay $0x1  }
0xc7: {  	v3 =	vperm.xlane v3, v2;
	v4 =	vadd.s32 v1, v4;
	_ =	sdelay $0x1  }
0xc8: {  	v3 =	vadd.s32 v1, v3;
	_ =	sdelay $0x2  }
0xc9: {  	[tilespmem:s11], [sflag:$0x2] =	stream.indirect_vreg.gather [hbm4b:s3+s2], $0x80, v4, vm0, $0xb8;
	[tilespmem:$0x11C00] =	vst v63  }
0xca: {  	_ = 	snop  }
0xcb: {  	[tilespmem:s12], [sflag:$0x2] =	stream.indirect_vreg.gather [hbm4b:s3+s2], $0x80, v3, vm0, $0xb8;
	[tilespmem:$0x11C00] =	vst v63  }
0xcc: {  	v3 =	vld [tilespmem:s18+$0x30];
	_ =	sdelay $0x4  }
0xcd: {  	v63 =	vshll.u32 v3, $0x1  }
0xce: {  	v3 =	vand.u32 $0x7, v3;
	v4 =	vand.u32 $0xFFFFFFF0, v63  }
0xcf: {  	v3 =	vor.u32 v3, v4  }
0xd0: {  	v4 =	vperm.xlane v3, v0;
	_ =	sdelay $0x1  }
0xd1: {  	v3 =	vperm.xlane v3, v2;
	v4 =	vadd.s32 v1, v4;
	_ =	sdelay $0x1  }
0xd2: {  	v3 =	vadd.s32 v1, v3;
	_ =	sdelay $0x2  }
0xd3: {  	[tilespmem:s13], [sflag:$0x2] =	stream.indirect_vreg.gather [hbm4b:s3+s2], $0x80, v4, vm0, $0xb8;
	[tilespmem:$0x11C00] =	vst v63  }
0xd4: {  	_ = 	snop  }
0xd5: {  	[tilespmem:s14], [sflag:$0x2] =	stream.indirect_vreg.gather [hbm4b:s3+s2], $0x80, v3, vm0, $0xb8;
	[tilespmem:$0x11C00] =	vst v63  }
0xd6: {  	_ =	swait.ge [sflag:s15], $0x8000  }
0xd7: {  	p0 =	seq.s32 s19, $0x30000;
	[sflag:s15] =	ssyncset.done $0x0  }
.Ltmp4:
0xd8: {  	s20 =	sadd.s32 s19, s7;
	[sflag:s15] =	ssyncadd.s32 $0xFFFF8000;
	(pc) =	sbr.rel @p0 .LBB2_4-.Ltmp4, $4  }
0xd9: {  	[hbm4b:s20+s2] =	stream.linear.scatter [tilespmem:s9], [sflag:$0x3], $0x8000, $0x38;
	[tilespmem:$0x11C00] =	vst v63  }
0xda: {  	_ =	swait.ge [sflag:s16], $0x8000  }
0xdb: {  	[sflag:s16] =	ssyncset.done $0x0  }
0xdc: {  	[sflag:s16] =	ssyncadd.s32 $0xFFFF8000  }
0xdd: {  	v3 =	vld [tilespmem:s18+$0x40];
	_ =	sdelay $0x4  }
0xde: {  	v4 =	vshll.u32 v3, $0x1  }
0xdf: {  	v3 =	vand.u32 $0x7, v3;
	v4 =	vand.u32 $0xFFFFFFF0, v4  }
0xe0: {  	v3 =	vor.u32 v3, v4  }
0xe1: {  	v4 =	vperm.xlane v3, v0;
	_ =	sdelay $0x1  }
0xe2: {  	v3 =	vperm.xlane v3, v2;
	v4 =	vadd.s32 v1, v4;
	_ =	sdelay $0x1  }
0xe3: {  	v3 =	vadd.s32 v1, v3;
	_ =	sdelay $0x2  }
0xe4: {  	[tilespmem:s9], [sflag:$0x1] =	stream.indirect_vreg.gather [hbm4b:s3+s2], $0x80, v4, vm0, $0xb8;
	[tilespmem:$0x11C00] =	vst v63  }
0xe5: {  	s20 =	simm.s32 $0x2400  }
0xe6: {  	[tilespmem:s20], [sflag:$0x1] =	stream.indirect_vreg.gather [hbm4b:s3+s2], $0x80, v3, vm0, $0xb8;
	[tilespmem:$0x11C00] =	vst v63  }
0xe7: {  	v3 =	vld [tilespmem:s18+$0x50];
	_ =	sdelay $0x4  }
0xe8: {  	v57 =	vshll.u32 v3, $0x1  }
0xe9: {  	v3 =	vand.u32 $0x7, v3;
	v4 =	vand.u32 $0xFFFFFFF0, v57  }
0xea: {  	v3 =	vor.u32 v3, v4  }
0xeb: {  	v4 =	vperm.xlane v3, v0;
	_ =	sdelay $0x1  }
0xec: {  	v3 =	vperm.xlane v3, v2;
	v4 =	vadd.s32 v1, v4;
	_ =	sdelay $0x1  }
0xed: {  	v3 =	vadd.s32 v1, v3;
	_ =	sdelay $0x1  }
0xee: {  	s20 =	simm.s32 $0x2C00  }
0xef: {  	[tilespmem:s20], [sflag:$0x1] =	stream.indirect_vreg.gather [hbm4b:s3+s2], $0x80, v4, vm0, $0xb8;
	[tilespmem:$0x11C00] =	vst v63  }
0xf0: {  	s20 =	simm.s32 $0x3400  }
0xf1: {  	[tilespmem:s20], [sflag:$0x1] =	stream.indirect_vreg.gather [hbm4b:s3+s2], $0x80, v3, vm0, $0xb8;
	[tilespmem:$0x11C00] =	vst v63  }
0xf2: {  	v3 =	vld [tilespmem:s18+$0x60];
	_ =	sdelay $0x4  }
0xf3: {  	v58 =	vshll.u32 v3, $0x1  }
0xf4: {  	v3 =	vand.u32 $0x7, v3;
	v4 =	vand.u32 $0xFFFFFFF0, v58  }
0xf5: {  	v3 =	vor.u32 v3, v4  }
0xf6: {  	v4 =	vperm.xlane v3, v0;
	_ =	sdelay $0x1  }
0xf7: {  	v3 =	vperm.xlane v3, v2;
	v4 =	vadd.s32 v1, v4;
	_ =	sdelay $0x1  }
0xf8: {  	v3 =	vadd.s32 v1, v3;
	_ =	sdelay $0x1  }
0xf9: {  	s20 =	simm.s32 $0x3C00  }
0xfa: {  	[tilespmem:s20], [sflag:$0x1] =	stream.indirect_vreg.gather [hbm4b:s3+s2], $0x80, v4, vm0, $0xb8;
	[tilespmem:$0x11C00] =	vst v63  }
0xfb: {  	s20 =	simm.s32 $0x4400  }
0xfc: {  	[tilespmem:s20], [sflag:$0x1] =	stream.indirect_vreg.gather [hbm4b:s3+s2], $0x80, v3, vm0, $0xb8;
	[tilespmem:$0x11C00] =	vst v63  }
0xfd: {  	v3 =	vld [tilespmem:s18+$0x70];
	_ =	sdelay $0x4  }
0xfe: {  	v59 =	vshll.u32 v3, $0x1  }
0xff: {  	v3 =	vand.u32 $0x7, v3;
	v4 =	vand.u32 $0xFFFFFFF0, v59  }
0x100: {  	v3 =	vor.u32 v3, v4  }
0x101: {  	v4 =	vperm.xlane v3, v0;
	_ =	sdelay $0x1  }
0x102: {  	v3 =	vperm.xlane v3, v2;
	v4 =	vadd.s32 v1, v4;
	_ =	sdelay $0x1  }
0x103: {  	v3 =	vadd.s32 v1, v3;
	_ =	sdelay $0x1  }
0x104: {  	s20 =	simm.s32 $0x4C00  }
0x105: {  	[tilespmem:s20], [sflag:$0x1] =	stream.indirect_vreg.gather [hbm4b:s3+s2], $0x80, v4, vm0, $0xb8;
	[tilespmem:$0x11C00] =	vst v63  }
0x106: {  	s20 =	simm.s32 $0x5400  }
0x107: {  	[tilespmem:s20], [sflag:$0x1] =	stream.indirect_vreg.gather [hbm4b:s3+s2], $0x80, v3, vm0, $0xb8;
	[tilespmem:$0x11C00] =	vst v63  }
0x108: {  	v3 =	vld [tilespmem:s18+$0x80];
	_ =	sdelay $0x4  }
0x109: {  	v60 =	vshll.u32 v3, $0x1  }
0x10a: {  	v3 =	vand.u32 $0x7, v3;
	v4 =	vand.u32 $0xFFFFFFF0, v60  }
0x10b: {  	v3 =	vor.u32 v3, v4  }
0x10c: {  	v4 =	vperm.xlane v3, v0;
	_ =	sdelay $0x1  }
0x10d: {  	v3 =	vperm.xlane v3, v2;
	v4 =	vadd.s32 v1, v4;
	_ =	sdelay $0x1  }
0x10e: {  	v3 =	vadd.s32 v1, v3;
	_ =	sdelay $0x1  }
0x10f: {  	s20 =	simm.s32 $0x5C00  }
0x110: {  	[tilespmem:s20], [sflag:$0x1] =	stream.indirect_vreg.gather [hbm4b:s3+s2], $0x80, v4, vm0, $0xb8;
	[tilespmem:$0x11C00] =	vst v63  }
0x111: {  	s20 =	simm.s32 $0x6400  }
0x112: {  	[tilespmem:s20], [sflag:$0x1] =	stream.indirect_vreg.gather [hbm4b:s3+s2], $0x80, v3, vm0, $0xb8;
	[tilespmem:$0x11C00] =	vst v63  }
0x113: {  	v3 =	vld [tilespmem:s18+$0x90];
	_ =	sdelay $0x4  }
0x114: {  	v61 =	vshll.u32 v3, $0x1  }
0x115: {  	v3 =	vand.u32 $0x7, v3;
	v4 =	vand.u32 $0xFFFFFFF0, v61  }
0x116: {  	v3 =	vor.u32 v3, v4  }
0x117: {  	v4 =	vperm.xlane v3, v0;
	_ =	sdelay $0x1  }
0x118: {  	v3 =	vperm.xlane v3, v2;
	v4 =	vadd.s32 v1, v4;
	_ =	sdelay $0x1  }
0x119: {  	v3 =	vadd.s32 v1, v3;
	_ =	sdelay $0x1  }
0x11a: {  	s20 =	simm.s32 $0x6C00  }
0x11b: {  	[tilespmem:s20], [sflag:$0x1] =	stream.indirect_vreg.gather [hbm4b:s3+s2], $0x80, v4, vm0, $0xb8;
	[tilespmem:$0x11C00] =	vst v63  }
0x11c: {  	s20 =	simm.s32 $0x7400  }
0x11d: {  	[tilespmem:s20], [sflag:$0x1] =	stream.indirect_vreg.gather [hbm4b:s3+s2], $0x80, v3, vm0, $0xb8;
	[tilespmem:$0x11C00] =	vst v63  }
0x11e: {  	v3 =	vld [tilespmem:s18+$0xA0];
	_ =	sdelay $0x4  }
0x11f: {  	v62 =	vshll.u32 v3, $0x1  }
0x120: {  	v3 =	vand.u32 $0x7, v3;
	v4 =	vand.u32 $0xFFFFFFF0, v62  }
0x121: {  	v3 =	vor.u32 v3, v4  }
0x122: {  	v4 =	vperm.xlane v3, v0;
	_ =	sdelay $0x1  }
0x123: {  	v3 =	vperm.xlane v3, v2;
	v4 =	vadd.s32 v1, v4;
	_ =	sdelay $0x1  }
0x124: {  	v3 =	vadd.s32 v1, v3;
	_ =	sdelay $0x2  }
0x125: {  	[tilespmem:s21], [sflag:$0x1] =	stream.indirect_vreg.gather [hbm4b:s3+s2], $0x80, v4, vm0, $0xb8;
	[tilespmem:$0x11C00] =	vst v63  }
0x126: {  	_ = 	snop  }
0x127: {  	[tilespmem:s22], [sflag:$0x1] =	stream.indirect_vreg.gather [hbm4b:s3+s2], $0x80, v3, vm0, $0xb8;
	[tilespmem:$0x11C00] =	vst v63  }
0x128: {  	v3 =	vld [tilespmem:s18+$0xB0];
	_ =	sdelay $0x4  }
0x129: {  	v63 =	vshll.u32 v3, $0x1  }
0x12a: {  	v3 =	vand.u32 $0x7, v3;
	v4 =	vand.u32 $0xFFFFFFF0, v63  }
0x12b: {  	v3 =	vor.u32 v3, v4  }
0x12c: {  	v4 =	vperm.xlane v3, v0;
	_ =	sdelay $0x1  }
0x12d: {  	v3 =	vperm.xlane v3, v2;
	v4 =	vadd.s32 v1, v4;
	_ =	sdelay $0x1  }
0x12e: {  	v3 =	vadd.s32 v1, v3  }
.Ltmp5:
0x12f: {  	_ = 	snop;
	(pc) =	sbr.rel .LBB2_4-.Ltmp5, $4  }
0x130: {  	_ = 	snop  }
0x131: {  	[tilespmem:s23], [sflag:$0x1] =	stream.indirect_vreg.gather [hbm4b:s3+s2], $0x80, v4, vm0, $0xb8;
	[tilespmem:$0x11C00] =	vst v63  }
0x132: {  	_ = 	snop  }
0x133: {  	[tilespmem:s24], [sflag:$0x1] =	stream.indirect_vreg.gather [hbm4b:s3+s2], $0x80, v3, vm0, $0xb8;
	[tilespmem:$0x11C00] =	vst v63  }
.LBB2_6:
0x134: {  	_ =	sfence.sel $0x180000  }
0x135: {  	[bflag:$0x0] =	sbarrier.arrive $0xFFFF  }
0x136: {  	_ =	strace $0x90000047  }
0x137: {  	s0 =	stileid.u32;
	[bflag:$0x2] =	sbarrier.arrive $0xFFFF  }
0x138: {  	p0 =	sne.s32 s0, $0x0;
	s0 =	rddreg [dreg:$0x2]  }
0x139: {  	s0 =	sadd.s32 @!p0 $0x100000, s0  }
0x13a: {  	[sflag:s0] =	ssyncadd.tile.s32 @!p0 $0x1;
	_ =	shalt  }
.Lfunc_end2:
_tile_overlayer_lowered:
.L_overlay_start_2:
0x13b: {  	(tag) =	ssettag $0x2  }
0x13c: {  	s0 =	rddreg [dreg:$0x0];
	s2 =	stileid.u32  }
0x13d: {  	s1 =	rddreg [dreg:$0x1];
	p0 =	sne.s32 s2, $0x0  }
0x13e: {  	s3 =	rddreg [dreg:$0x2];
	[bflag:$0x3] =	sbarrier.arrive $0xFFFF;
	s2 =	simm.s32 @!p0 $0x1C05  }
0x13f: {  	[timem:s3], [sflag:s2] =	dma.local @!p0 [hbm:s0], s1  }
0x140: {  	s0 =	simm.s32 @!p0 $0x5  }
0x141: {  	_ =	swait.ge @!p0 [sflag:s0], s1  }
0x142: {  	s1 =	ssub.s32 @!p0 $0x0, s1;
	[sflag:s0] =	ssyncset.done @!p0 $0x0  }
0x143: {  	[sflag:s0] =	ssyncadd.s32 @!p0 s1  }
0x144: {  	[bflag:$0x3] =	sbarrier.arrive $0xFFFF  }
0x145: {  	_ =	shalt  }

</sc_bundles>
